<compile_context>
chip_gen: v7x
topology: tpu7x:2x2x1
jax: 0.10.2.dev20260603
libtpu: 0.0.44.dev20260713+nightly
codegen_flags: <defaults>
</compile_context>

<pallas_src>
import functools

import jax
import jax.numpy as jnp
from jax import lax
from jax.experimental import pallas as pl
from jax.experimental.pallas import tpu as pltpu
from jax.experimental.pallas import tpu_sc as plsc

DIM = 64
PDIM = 128
NC, NS = 2, 16
NW = NC * NS
CH = 400
NBUF = 2


@jax.jit
def _embed(x_flat, table_p):
    n = x_flat.shape[0]
    per_w = n // NW
    n_chunks = per_w // CH
    assert n_chunks % NBUF == 0 and n_chunks >= 2 * NBUF
    mesh = plsc.VectorSubcoreMesh(core_axis_name="c", subcore_axis_name="s")

    @functools.partial(
        pl.kernel,
        mesh=mesh,
        compiler_params=pltpu.CompilerParams(use_tc_tiling_on_sc=False),
        out_type=jax.ShapeDtypeStruct((n, PDIM), jnp.float32),
        scratch_types=[
            pltpu.VMEM((per_w,), jnp.int32),
            pltpu.VMEM((NBUF, CH, PDIM), jnp.float32),
            pltpu.SemaphoreType.DMA,
            pltpu.SemaphoreType.DMA,
        ],
    )
    def k(x_hbm, table_hbm, out_hbm, idx_v, rows_v, sem0, sem1):
        sems = (sem0, sem1)
        wid = lax.axis_index("s") * NC + lax.axis_index("c")
        base = wid * per_w

        pltpu.sync_copy(x_hbm.at[pl.ds(base, per_w)], idx_v)

        def gather(b, c):
            pltpu.async_copy(
                table_hbm.at[idx_v.at[pl.ds(c * CH, CH)]], rows_v.at[b], sems[b]
            )

        def wait_gather(b, c):
            pltpu.make_async_copy(
                table_hbm.at[idx_v.at[pl.ds(c * CH, CH)]], rows_v.at[b], sems[b]
            ).wait()

        def store(b, c):
            pltpu.sync_copy(
                rows_v.at[b, :, pl.ds(0, DIM)],
                out_hbm.at[pl.ds(base + c * CH, CH), pl.ds(0, DIM)],
            )

        for b in range(NBUF):
            gather(b, b)

        def pair_body(g, carry):
            for b in range(NBUF):
                c = NBUF * g + b
                wait_gather(b, c)
                store(b, c)
                gather(b, c + NBUF)
            return carry

        lax.fori_loop(0, n_chunks // NBUF - 1, pair_body, 0)

        for b in range(NBUF):
            c = n_chunks - NBUF + b
            wait_gather(b, c)
            store(b, c)

    return k(x_flat, table_p)


def kernel(x, table):
    n = x.shape[0] * x.shape[1]
    table_p = jnp.pad(table, ((0, 0), (0, PDIM - DIM)))
    out_p = _embed(x.reshape(n).astype(jnp.int32), table_p)
    return out_p[:, :DIM].reshape(x.shape[0], x.shape[1], DIM)

# --- scband reference (transcript-rebuilt; emitter-appended) ---
"""Pipeline reference for scband-token-embedding-19524921328243 (READ-ONLY COPY).

The authoritative reference and input builder live on the scoring server;
editing this copy changes nothing except your own understanding.
"""

import jax, jax.numpy as jnp
import numpy as np

VOCAB = 1000000
DIM = 64
PAD = 0

def setup_inputs(seed: int = 0) -> dict:
    key = jax.random.key(seed)
    k1, k2 = jax.random.split(key)
    x = jax.random.randint(k1, (4096, 200), 0, VOCAB, dtype=jnp.int64) if jax.config.jax_enable_x64 else jax.random.randint(k1, (4096, 200), 0, VOCAB, dtype=jnp.int32)
    table = jax.random.normal(k2, (VOCAB, DIM), dtype=jnp.float32)
    # padding_idx row is zero-initialized, matching nn.Embedding(padding_idx=PAD)
    table = table.at[PAD].set(0.0)
    return {"x": x, "table": table}

def reference(x, table):
    # nn.Embedding forward: gather rows; padding_idx row is zero, and any index
    # equal to padding_idx yields a zero vector.
    out = jnp.take(table, x, axis=0)
    mask = (x != PAD)[..., None].astype(out.dtype)
    out = out * mask
    return out

if __name__ == "__main__":
    import jax
    _d = setup_inputs()
    print(jax.jit(kernel)(*tuple(_d.values())))

</pallas_src>

<mosaic_0001>
#map = affine_map<(d0, d1) -> (0)>
#map1 = affine_map<(d0, d1) -> (0, 0)>
module attributes {stable_mosaic.version = 14 : i64} {
  func.func @k(%arg0: i32, %arg1: i32, %arg2: memref<819200xi32, #tpu.memory_space<hbm>>, %arg3: memref<1000000x128xf32, #tpu.memory_space<hbm>>, %arg4: memref<819200x128xf32, #tpu.memory_space<hbm>>, %arg5: memref<25600xi32, #tpu.memory_space<vmem>>, %arg6: memref<2x400x128xf32, #tpu.memory_space<vmem>>, %arg7: memref<!tpu.dma_semaphore, #tpu.memory_space<semaphore_mem>>, %arg8: memref<!tpu.dma_semaphore, #tpu.memory_space<semaphore_mem>>) attributes {dimension_semantics = [#tpu.dimension_semantics<core_parallel>, #tpu.dimension_semantics<subcore_parallel>], iteration_bounds = array<i64: 2, 16>, scalar_prefetch = 0 : i64, scratch_operands = 4 : i64, tpu.core_type = #tpu.core_type<sc_vector_subcore>, window_params = [{transform_indices = #map}, {transform_indices = #map1}, {transform_indices = #map1}]} {
    %mul3A = arith.constant 2 : i32
    %mul3A_0 = arith.muli %arg1, %mul3A : i32
    %add3A = arith.addi %mul3A_0, %arg0 : i32
    %mul3A_1 = arith.constant 25600 : i32
    %mul3A_2 = arith.muli %add3A, %mul3A_1 : i32
    "tpu.region"() ({
      %run_scoped3A_51 = tpu.sem_alloc : memref<!tpu.dma_semaphore, #tpu.memory_space<semaphore_mem>>
      %dma_start3A_52 = tpu.memref_slice %arg2[%mul3A_2] : memref<819200xi32, #tpu.memory_space<hbm>> -> memref<25600xi32, #tpu.memory_space<hbm>>
      %dma_start3A_53 = tpu.memref_slice %arg2[%mul3A_2] : memref<819200xi32, #tpu.memory_space<hbm>> -> memref<25600xi32, #tpu.memory_space<hbm>>
      tpu.enqueue_dma source(%dma_start3A_53 : memref<25600xi32, #tpu.memory_space<hbm>>) target(%arg5 : memref<25600xi32, #tpu.memory_space<vmem>>) target_semaphore(%run_scoped3A_51 : memref<!tpu.dma_semaphore, #tpu.memory_space<semaphore_mem>>)
      %dma_wait3A_54 = tpu.memref_slice %arg2[%mul3A_2] : memref<819200xi32, #tpu.memory_space<hbm>> -> memref<25600xi32, #tpu.memory_space<hbm>>
      %dma_wait3A_55 = tpu.memref_slice %arg2[%mul3A_2] : memref<819200xi32, #tpu.memory_space<hbm>> -> memref<25600xi32, #tpu.memory_space<hbm>>
      tpu.wait_dma2 semaphore(%run_scoped3A_51 : memref<!tpu.dma_semaphore, #tpu.memory_space<semaphore_mem>>) src(%dma_wait3A_55 : memref<25600xi32, #tpu.memory_space<hbm>>) dst(%arg5 : memref<25600xi32, #tpu.memory_space<vmem>>)
      tpu.yield
    }) : () -> ()
    %dma_start3A = arith.constant 0 : i32
    %dma_start3A_3 = arith.constant 0 : i32
    %dma_start3A_4 = arith.constant 0 : i32
    %dma_start3A_5 = tpu.memref_slice %arg6[%dma_start3A, %dma_start3A_3, %dma_start3A_4] : memref<2x400x128xf32, #tpu.memory_space<vmem>> -> memref<1x400x128xf32, #tpu.memory_space<vmem>>
    %dma_start3A_6 = tpu.memref_squeeze %dma_start3A_5 : memref<1x400x128xf32, #tpu.memory_space<vmem>> -> memref<400x128xf32, #tpu.memory_space<vmem>>
    %dma_start3A_7 = arith.constant 0 : i32
    %dma_start3A_8 = tpu.memref_slice %arg5[%dma_start3A_7] : memref<25600xi32, #tpu.memory_space<vmem>> -> memref<400xi32, #tpu.memory_space<vmem>>
    %dma_start3A_9 = arith.constant 0 : i32
    %dma_start3A_10 = arith.constant 0 : i32
    %dma_start3A_11 = tpu.memref_slice %arg3[%dma_start3A_9, %dma_start3A_10] : memref<1000000x128xf32, #tpu.memory_space<hbm>> -> memref<1000000x128xf32, #tpu.memory_space<hbm>>
    tpu.enqueue_indirect_dma source(%dma_start3A_11 : memref<1000000x128xf32, #tpu.memory_space<hbm>>) target(%dma_start3A_6 : memref<400x128xf32, #tpu.memory_space<vmem>>) offsets(%dma_start3A_8 : memref<400xi32, #tpu.memory_space<vmem>>) semaphore(%arg7 : memref<!tpu.dma_semaphore, #tpu.memory_space<semaphore_mem>>)
    %dma_start3A_12 = arith.constant 1 : i32
    %dma_start3A_13 = arith.constant 0 : i32
    %dma_start3A_14 = arith.constant 0 : i32
    %dma_start3A_15 = tpu.memref_slice %arg6[%dma_start3A_12, %dma_start3A_13, %dma_start3A_14] : memref<2x400x128xf32, #tpu.memory_space<vmem>> -> memref<1x400x128xf32, #tpu.memory_space<vmem>>
    %dma_start3A_16 = tpu.memref_squeeze %dma_start3A_15 : memref<1x400x128xf32, #tpu.memory_space<vmem>> -> memref<400x128xf32, #tpu.memory_space<vmem>>
    %dma_start3A_17 = arith.constant 400 : i32
    %dma_start3A_18 = tpu.memref_slice %arg5[%dma_start3A_17] : memref<25600xi32, #tpu.memory_space<vmem>> -> memref<400xi32, #tpu.memory_space<vmem>>
    %dma_start3A_19 = arith.constant 0 : i32
    %dma_start3A_20 = arith.constant 0 : i32
    %dma_start3A_21 = tpu.memref_slice %arg3[%dma_start3A_19, %dma_start3A_20] : memref<1000000x128xf32, #tpu.memory_space<hbm>> -> memref<1000000x128xf32, #tpu.memory_space<hbm>>
    tpu.enqueue_indirect_dma source(%dma_start3A_21 : memref<1000000x128xf32, #tpu.memory_space<hbm>>) target(%dma_start3A_16 : memref<400x128xf32, #tpu.memory_space<vmem>>) offsets(%dma_start3A_18 : memref<400xi32, #tpu.memory_space<vmem>>) semaphore(%arg8 : memref<!tpu.dma_semaphore, #tpu.memory_space<semaphore_mem>>)
    %scan3A = arith.constant 0 : i32
    %scan3A_22 = arith.constant 0 : i32
    %scan3A_23 = arith.constant 31 : i32
    %scan3A_24 = arith.addi %scan3A_22, %scan3A_23 : i32
    %scan3A_25 = arith.constant 1 : i32
    scf.for %scan3A_51 = %scan3A_22 to %scan3A_24 step %scan3A_25  : i32 {
      %mul3A_52 = arith.constant 2 : i32
      %mul3A_53 = arith.muli %mul3A_52, %scan3A_51 : i32
      %add3A_54 = arith.constant 0 : i32
      %add3A_55 = arith.addi %mul3A_53, %add3A_54 : i32
      %mul3A_56 = arith.constant 400 : i32
      %mul3A_57 = arith.muli %add3A_55, %mul3A_56 : i32
      %dma_wait3A_58 = arith.constant 0 : i32
      %dma_wait3A_59 = arith.constant 0 : i32
      %dma_wait3A_60 = arith.constant 0 : i32
      %dma_wait3A_61 = tpu.memref_slice %arg6[%dma_wait3A_58, %dma_wait3A_59, %dma_wait3A_60] : memref<2x400x128xf32, #tpu.memory_space<vmem>> -> memref<1x400x128xf32, #tpu.memory_space<vmem>>
      %dma_wait3A_62 = tpu.memref_squeeze %dma_wait3A_61 : memref<1x400x128xf32, #tpu.memory_space<vmem>> -> memref<400x128xf32, #tpu.memory_space<vmem>>
      %dma_wait3A_63 = tpu.memref_slice %arg5[%mul3A_57] : memref<25600xi32, #tpu.memory_space<vmem>> -> memref<400xi32, #tpu.memory_space<vmem>>
      %dma_wait3A_64 = arith.constant 0 : i32
      %dma_wait3A_65 = arith.constant 0 : i32
      %dma_wait3A_66 = tpu.memref_slice %arg3[%dma_wait3A_64, %dma_wait3A_65] : memref<1000000x128xf32, #tpu.memory_space<hbm>> -> memref<1000000x128xf32, #tpu.memory_space<hbm>>
      tpu.wait_indirect_dma semaphore(%arg7 : memref<!tpu.dma_semaphore, #tpu.memory_space<semaphore_mem>>) src(%dma_wait3A_66 : memref<1000000x128xf32, #tpu.memory_space<hbm>>) dst(%dma_wait3A_62 : memref<400x128xf32, #tpu.memory_space<vmem>>)
      %mul3A_67 = arith.constant 400 : i32
      %mul3A_68 = arith.muli %add3A_55, %mul3A_67 : i32
      %add3A_69 = arith.addi %mul3A_2, %mul3A_68 : i32
      %run_scoped3A_70 = arith.constant 0 : i32
      "tpu.region"() ({
        %run_scoped3A_116 = tpu.sem_alloc : memref<!tpu.dma_semaphore, #tpu.memory_space<semaphore_mem>>
        %dma_start3A_117 = arith.constant 0 : i32
        %dma_start3A_118 = arith.constant 0 : i32
        %dma_start3A_119 = tpu.memref_slice %arg6[%run_scoped3A_70, %dma_start3A_117, %dma_start3A_118] : memref<2x400x128xf32, #tpu.memory_space<vmem>> -> memref<1x400x64xf32, #tpu.memory_space<vmem>>
        %dma_start3A_120 = tpu.memref_squeeze %dma_start3A_119 : memref<1x400x64xf32, #tpu.memory_space<vmem>> -> memref<400x64xf32, #tpu.memory_space<vmem>>
        %dma_start3A_121 = arith.constant 0 : i32
        %dma_start3A_122 = tpu.memref_slice %arg4[%add3A_69, %dma_start3A_121] : memref<819200x128xf32, #tpu.memory_space<hbm>> -> memref<400x64xf32, #tpu.memory_space<hbm>>
        %dma_start3A_123 = arith.constant 0 : i32
        %dma_start3A_124 = tpu.memref_slice %arg4[%add3A_69, %dma_start3A_123] : memref<819200x128xf32, #tpu.memory_space<hbm>> -> memref<400x64xf32, #tpu.memory_space<hbm>>
        %dma_start3A_125 = arith.constant 0 : i32
        %dma_start3A_126 = arith.constant 0 : i32
        %dma_start3A_127 = tpu.memref_slice %arg6[%run_scoped3A_70, %dma_start3A_125, %dma_start3A_126] : memref<2x400x128xf32, #tpu.memory_space<vmem>> -> memref<1x400x64xf32, #tpu.memory_space<vmem>>
        %dma_start3A_128 = tpu.memref_squeeze %dma_start3A_127 : memref<1x400x64xf32, #tpu.memory_space<vmem>> -> memref<400x64xf32, #tpu.memory_space<vmem>>
        tpu.enqueue_dma source(%dma_start3A_128 : memref<400x64xf32, #tpu.memory_space<vmem>>) target(%dma_start3A_124 : memref<400x64xf32, #tpu.memory_space<hbm>>) target_semaphore(%run_scoped3A_116 : memref<!tpu.dma_semaphore, #tpu.memory_space<semaphore_mem>>)
        %dma_wait3A_129 = arith.constant 0 : i32
        %dma_wait3A_130 = arith.constant 0 : i32
        %dma_wait3A_131 = tpu.memref_slice %arg6[%run_scoped3A_70, %dma_wait3A_129, %dma_wait3A_130] : memref<2x400x128xf32, #tpu.memory_space<vmem>> -> memref<1x400x64xf32, #tpu.memory_space<vmem>>
        %dma_wait3A_132 = tpu.memref_squeeze %dma_wait3A_131 : memref<1x400x64xf32, #tpu.memory_space<vmem>> -> memref<400x64xf32, #tpu.memory_space<vmem>>
        %dma_wait3A_133 = arith.constant 0 : i32
        %dma_wait3A_134 = tpu.memref_slice %arg4[%add3A_69, %dma_wait3A_133] : memref<819200x128xf32, #tpu.memory_space<hbm>> -> memref<400x64xf32, #tpu.memory_space<hbm>>
        %dma_wait3A_135 = arith.constant 0 : i32
        %dma_wait3A_136 = tpu.memref_slice %arg4[%add3A_69, %dma_wait3A_135] : memref<819200x128xf32, #tpu.memory_space<hbm>> -> memref<400x64xf32, #tpu.memory_space<hbm>>
        %dma_wait3A_137 = arith.constant 0 : i32
        %dma_wait3A_138 = arith.constant 0 : i32
        %dma_wait3A_139 = tpu.memref_slice %arg6[%run_scoped3A_70, %dma_wait3A_137, %dma_wait3A_138] : memref<2x400x128xf32, #tpu.memory_space<vmem>> -> memref<1x400x64xf32, #tpu.memory_space<vmem>>
        %dma_wait3A_140 = tpu.memref_squeeze %dma_wait3A_139 : memref<1x400x64xf32, #tpu.memory_space<vmem>> -> memref<400x64xf32, #tpu.memory_space<vmem>>
        tpu.wait_dma2 semaphore(%run_scoped3A_116 : memref<!tpu.dma_semaphore, #tpu.memory_space<semaphore_mem>>) src(%dma_wait3A_140 : memref<400x64xf32, #tpu.memory_space<vmem>>) dst(%dma_wait3A_136 : memref<400x64xf32, #tpu.memory_space<hbm>>)
        tpu.yield
      }) : () -> ()
      %add3A_71 = arith.constant 2 : i32
      %add3A_72 = arith.addi %add3A_55, %add3A_71 : i32
      %mul3A_73 = arith.constant 400 : i32
      %mul3A_74 = arith.muli %add3A_72, %mul3A_73 : i32
      %dma_start3A_75 = arith.constant 0 : i32
      %dma_start3A_76 = arith.constant 0 : i32
      %dma_start3A_77 = arith.constant 0 : i32
      %dma_start3A_78 = tpu.memref_slice %arg6[%dma_start3A_75, %dma_start3A_76, %dma_start3A_77] : memref<2x400x128xf32, #tpu.memory_space<vmem>> -> memref<1x400x128xf32, #tpu.memory_space<vmem>>
      %dma_start3A_79 = tpu.memref_squeeze %dma_start3A_78 : memref<1x400x128xf32, #tpu.memory_space<vmem>> -> memref<400x128xf32, #tpu.memory_space<vmem>>
      %dma_start3A_80 = tpu.memref_slice %arg5[%mul3A_74] : memref<25600xi32, #tpu.memory_space<vmem>> -> memref<400xi32, #tpu.memory_space<vmem>>
      %dma_start3A_81 = arith.constant 0 : i32
      %dma_start3A_82 = arith.constant 0 : i32
      %dma_start3A_83 = tpu.memref_slice %arg3[%dma_start3A_81, %dma_start3A_82] : memref<1000000x128xf32, #tpu.memory_space<hbm>> -> memref<1000000x128xf32, #tpu.memory_space<hbm>>
      tpu.enqueue_indirect_dma source(%dma_start3A_83 : memref<1000000x128xf32, #tpu.memory_space<hbm>>) target(%dma_start3A_79 : memref<400x128xf32, #tpu.memory_space<vmem>>) offsets(%dma_start3A_80 : memref<400xi32, #tpu.memory_space<vmem>>) semaphore(%arg7 : memref<!tpu.dma_semaphore, #tpu.memory_space<semaphore_mem>>)
      %mul3A_84 = arith.constant 2 : i32
      %mul3A_85 = arith.muli %mul3A_84, %scan3A_51 : i32
      %add3A_86 = arith.constant 1 : i32
      %add3A_87 = arith.addi %mul3A_85, %add3A_86 : i32
      %mul3A_88 = arith.constant 400 : i32
      %mul3A_89 = arith.muli %add3A_87, %mul3A_88 : i32
      %dma_wait3A_90 = arith.constant 1 : i32
      %dma_wait3A_91 = arith.constant 0 : i32
      %dma_wait3A_92 = arith.constant 0 : i32
      %dma_wait3A_93 = tpu.memref_slice %arg6[%dma_wait3A_90, %dma_wait3A_91, %dma_wait3A_92] : memref<2x400x128xf32, #tpu.memory_space<vmem>> -> memref<1x400x128xf32, #tpu.memory_space<vmem>>
      %dma_wait3A_94 = tpu.memref_squeeze %dma_wait3A_93 : memref<1x400x128xf32, #tpu.memory_space<vmem>> -> memref<400x128xf32, #tpu.memory_space<vmem>>
      %dma_wait3A_95 = tpu.memref_slice %arg5[%mul3A_89] : memref<25600xi32, #tpu.memory_space<vmem>> -> memref<400xi32, #tpu.memory_space<vmem>>
      %dma_wait3A_96 = arith.constant 0 : i32
      %dma_wait3A_97 = arith.constant 0 : i32
      %dma_wait3A_98 = tpu.memref_slice %arg3[%dma_wait3A_96, %dma_wait3A_97] : memref<1000000x128xf32, #tpu.memory_space<hbm>> -> memref<1000000x128xf32, #tpu.memory_space<hbm>>
      tpu.wait_indirect_dma semaphore(%arg8 : memref<!tpu.dma_semaphore, #tpu.memory_space<semaphore_mem>>) src(%dma_wait3A_98 : memref<1000000x128xf32, #tpu.memory_space<hbm>>) dst(%dma_wait3A_94 : memref<400x128xf32, #tpu.memory_space<vmem>>)
      %mul3A_99 = arith.constant 400 : i32
      %mul3A_100 = arith.muli %add3A_87, %mul3A_99 : i32
      %add3A_101 = arith.addi %mul3A_2, %mul3A_100 : i32
      %run_scoped3A_102 = arith.constant 1 : i32
      "tpu.region"() ({
        %run_scoped3A_116 = tpu.sem_alloc : memref<!tpu.dma_semaphore, #tpu.memory_space<semaphore_mem>>
        %dma_start3A_117 = arith.constant 0 : i32
        %dma_start3A_118 = arith.constant 0 : i32
        %dma_start3A_119 = tpu.memref_slice %arg6[%run_scoped3A_102, %dma_start3A_117, %dma_start3A_118] : memref<2x400x128xf32, #tpu.memory_space<vmem>> -> memref<1x400x64xf32, #tpu.memory_space<vmem>>
        %dma_start3A_120 = tpu.memref_squeeze %dma_start3A_119 : memref<1x400x64xf32, #tpu.memory_space<vmem>> -> memref<400x64xf32, #tpu.memory_space<vmem>>
        %dma_start3A_121 = arith.constant 0 : i32
        %dma_start3A_122 = tpu.memref_slice %arg4[%add3A_101, %dma_start3A_121] : memref<819200x128xf32, #tpu.memory_space<hbm>> -> memref<400x64xf32, #tpu.memory_space<hbm>>
        %dma_start3A_123 = arith.constant 0 : i32
        %dma_start3A_124 = tpu.memref_slice %arg4[%add3A_101, %dma_start3A_123] : memref<819200x128xf32, #tpu.memory_space<hbm>> -> memref<400x64xf32, #tpu.memory_space<hbm>>
        %dma_start3A_125 = arith.constant 0 : i32
        %dma_start3A_126 = arith.constant 0 : i32
        %dma_start3A_127 = tpu.memref_slice %arg6[%run_scoped3A_102, %dma_start3A_125, %dma_start3A_126] : memref<2x400x128xf32, #tpu.memory_space<vmem>> -> memref<1x400x64xf32, #tpu.memory_space<vmem>>
        %dma_start3A_128 = tpu.memref_squeeze %dma_start3A_127 : memref<1x400x64xf32, #tpu.memory_space<vmem>> -> memref<400x64xf32, #tpu.memory_space<vmem>>
        tpu.enqueue_dma source(%dma_start3A_128 : memref<400x64xf32, #tpu.memory_space<vmem>>) target(%dma_start3A_124 : memref<400x64xf32, #tpu.memory_space<hbm>>) target_semaphore(%run_scoped3A_116 : memref<!tpu.dma_semaphore, #tpu.memory_space<semaphore_mem>>)
        %dma_wait3A_129 = arith.constant 0 : i32
        %dma_wait3A_130 = arith.constant 0 : i32
        %dma_wait3A_131 = tpu.memref_slice %arg6[%run_scoped3A_102, %dma_wait3A_129, %dma_wait3A_130] : memref<2x400x128xf32, #tpu.memory_space<vmem>> -> memref<1x400x64xf32, #tpu.memory_space<vmem>>
        %dma_wait3A_132 = tpu.memref_squeeze %dma_wait3A_131 : memref<1x400x64xf32, #tpu.memory_space<vmem>> -> memref<400x64xf32, #tpu.memory_space<vmem>>
        %dma_wait3A_133 = arith.constant 0 : i32
        %dma_wait3A_134 = tpu.memref_slice %arg4[%add3A_101, %dma_wait3A_133] : memref<819200x128xf32, #tpu.memory_space<hbm>> -> memref<400x64xf32, #tpu.memory_space<hbm>>
        %dma_wait3A_135 = arith.constant 0 : i32
        %dma_wait3A_136 = tpu.memref_slice %arg4[%add3A_101, %dma_wait3A_135] : memref<819200x128xf32, #tpu.memory_space<hbm>> -> memref<400x64xf32, #tpu.memory_space<hbm>>
        %dma_wait3A_137 = arith.constant 0 : i32
        %dma_wait3A_138 = arith.constant 0 : i32
        %dma_wait3A_139 = tpu.memref_slice %arg6[%run_scoped3A_102, %dma_wait3A_137, %dma_wait3A_138] : memref<2x400x128xf32, #tpu.memory_space<vmem>> -> memref<1x400x64xf32, #tpu.memory_space<vmem>>
        %dma_wait3A_140 = tpu.memref_squeeze %dma_wait3A_139 : memref<1x400x64xf32, #tpu.memory_space<vmem>> -> memref<400x64xf32, #tpu.memory_space<vmem>>
        tpu.wait_dma2 semaphore(%run_scoped3A_116 : memref<!tpu.dma_semaphore, #tpu.memory_space<semaphore_mem>>) src(%dma_wait3A_140 : memref<400x64xf32, #tpu.memory_space<vmem>>) dst(%dma_wait3A_136 : memref<400x64xf32, #tpu.memory_space<hbm>>)
        tpu.yield
      }) : () -> ()
      %add3A_103 = arith.constant 2 : i32
      %add3A_104 = arith.addi %add3A_87, %add3A_103 : i32
      %mul3A_105 = arith.constant 400 : i32
      %mul3A_106 = arith.muli %add3A_104, %mul3A_105 : i32
      %dma_start3A_107 = arith.constant 1 : i32
      %dma_start3A_108 = arith.constant 0 : i32
      %dma_start3A_109 = arith.constant 0 : i32
      %dma_start3A_110 = tpu.memref_slice %arg6[%dma_start3A_107, %dma_start3A_108, %dma_start3A_109] : memref<2x400x128xf32, #tpu.memory_space<vmem>> -> memref<1x400x128xf32, #tpu.memory_space<vmem>>
      %dma_start3A_111 = tpu.memref_squeeze %dma_start3A_110 : memref<1x400x128xf32, #tpu.memory_space<vmem>> -> memref<400x128xf32, #tpu.memory_space<vmem>>
      %dma_start3A_112 = tpu.memref_slice %arg5[%mul3A_106] : memref<25600xi32, #tpu.memory_space<vmem>> -> memref<400xi32, #tpu.memory_space<vmem>>
      %dma_start3A_113 = arith.constant 0 : i32
      %dma_start3A_114 = arith.constant 0 : i32
      %dma_start3A_115 = tpu.memref_slice %arg3[%dma_start3A_113, %dma_start3A_114] : memref<1000000x128xf32, #tpu.memory_space<hbm>> -> memref<1000000x128xf32, #tpu.memory_space<hbm>>
      tpu.enqueue_indirect_dma source(%dma_start3A_115 : memref<1000000x128xf32, #tpu.memory_space<hbm>>) target(%dma_start3A_111 : memref<400x128xf32, #tpu.memory_space<vmem>>) offsets(%dma_start3A_112 : memref<400xi32, #tpu.memory_space<vmem>>) semaphore(%arg8 : memref<!tpu.dma_semaphore, #tpu.memory_space<semaphore_mem>>)
    }
    %scan3A_26 = arith.constant 31 : i32
    %dma_wait3A = arith.constant 0 : i32
    %dma_wait3A_27 = arith.constant 0 : i32
    %dma_wait3A_28 = arith.constant 0 : i32
    %dma_wait3A_29 = tpu.memref_slice %arg6[%dma_wait3A, %dma_wait3A_27, %dma_wait3A_28] : memref<2x400x128xf32, #tpu.memory_space<vmem>> -> memref<1x400x128xf32, #tpu.memory_space<vmem>>
    %dma_wait3A_30 = tpu.memref_squeeze %dma_wait3A_29 : memref<1x400x128xf32, #tpu.memory_space<vmem>> -> memref<400x128xf32, #tpu.memory_space<vmem>>
    %dma_wait3A_31 = arith.constant 24800 : i32
    %dma_wait3A_32 = tpu.memref_slice %arg5[%dma_wait3A_31] : memref<25600xi32, #tpu.memory_space<vmem>> -> memref<400xi32, #tpu.memory_space<vmem>>
    %dma_wait3A_33 = arith.constant 0 : i32
    %dma_wait3A_34 = arith.constant 0 : i32
    %dma_wait3A_35 = tpu.memref_slice %arg3[%dma_wait3A_33, %dma_wait3A_34] : memref<1000000x128xf32, #tpu.memory_space<hbm>> -> memref<1000000x128xf32, #tpu.memory_space<hbm>>
    tpu.wait_indirect_dma semaphore(%arg7 : memref<!tpu.dma_semaphore, #tpu.memory_space<semaphore_mem>>) src(%dma_wait3A_35 : memref<1000000x128xf32, #tpu.memory_space<hbm>>) dst(%dma_wait3A_30 : memref<400x128xf32, #tpu.memory_space<vmem>>)
    %add3A_36 = arith.constant 24800 : i32
    %add3A_37 = arith.addi %mul3A_2, %add3A_36 : i32
    %run_scoped3A = arith.constant 0 : i32
    "tpu.region"() ({
      %run_scoped3A_51 = tpu.sem_alloc : memref<!tpu.dma_semaphore, #tpu.memory_space<semaphore_mem>>
      %dma_start3A_52 = arith.constant 0 : i32
      %dma_start3A_53 = arith.constant 0 : i32
      %dma_start3A_54 = tpu.memref_slice %arg6[%run_scoped3A, %dma_start3A_52, %dma_start3A_53] : memref<2x400x128xf32, #tpu.memory_space<vmem>> -> memref<1x400x64xf32, #tpu.memory_space<vmem>>
      %dma_start3A_55 = tpu.memref_squeeze %dma_start3A_54 : memref<1x400x64xf32, #tpu.memory_space<vmem>> -> memref<400x64xf32, #tpu.memory_space<vmem>>
      %dma_start3A_56 = arith.constant 0 : i32
      %dma_start3A_57 = tpu.memref_slice %arg4[%add3A_37, %dma_start3A_56] : memref<819200x128xf32, #tpu.memory_space<hbm>> -> memref<400x64xf32, #tpu.memory_space<hbm>>
      %dma_start3A_58 = arith.constant 0 : i32
      %dma_start3A_59 = tpu.memref_slice %arg4[%add3A_37, %dma_start3A_58] : memref<819200x128xf32, #tpu.memory_space<hbm>> -> memref<400x64xf32, #tpu.memory_space<hbm>>
      %dma_start3A_60 = arith.constant 0 : i32
      %dma_start3A_61 = arith.constant 0 : i32
      %dma_start3A_62 = tpu.memref_slice %arg6[%run_scoped3A, %dma_start3A_60, %dma_start3A_61] : memref<2x400x128xf32, #tpu.memory_space<vmem>> -> memref<1x400x64xf32, #tpu.memory_space<vmem>>
      %dma_start3A_63 = tpu.memref_squeeze %dma_start3A_62 : memref<1x400x64xf32, #tpu.memory_space<vmem>> -> memref<400x64xf32, #tpu.memory_space<vmem>>
      tpu.enqueue_dma source(%dma_start3A_63 : memref<400x64xf32, #tpu.memory_space<vmem>>) target(%dma_start3A_59 : memref<400x64xf32, #tpu.memory_space<hbm>>) target_semaphore(%run_scoped3A_51 : memref<!tpu.dma_semaphore, #tpu.memory_space<semaphore_mem>>)
      %dma_wait3A_64 = arith.constant 0 : i32
      %dma_wait3A_65 = arith.constant 0 : i32
      %dma_wait3A_66 = tpu.memref_slice %arg6[%run_scoped3A, %dma_wait3A_64, %dma_wait3A_65] : memref<2x400x128xf32, #tpu.memory_space<vmem>> -> memref<1x400x64xf32, #tpu.memory_space<vmem>>
      %dma_wait3A_67 = tpu.memref_squeeze %dma_wait3A_66 : memref<1x400x64xf32, #tpu.memory_space<vmem>> -> memref<400x64xf32, #tpu.memory_space<vmem>>
      %dma_wait3A_68 = arith.constant 0 : i32
      %dma_wait3A_69 = tpu.memref_slice %arg4[%add3A_37, %dma_wait3A_68] : memref<819200x128xf32, #tpu.memory_space<hbm>> -> memref<400x64xf32, #tpu.memory_space<hbm>>
      %dma_wait3A_70 = arith.constant 0 : i32
      %dma_wait3A_71 = tpu.memref_slice %arg4[%add3A_37, %dma_wait3A_70] : memref<819200x128xf32, #tpu.memory_space<hbm>> -> memref<400x64xf32, #tpu.memory_space<hbm>>
      %dma_wait3A_72 = arith.constant 0 : i32
      %dma_wait3A_73 = arith.constant 0 : i32
      %dma_wait3A_74 = tpu.memref_slice %arg6[%run_scoped3A, %dma_wait3A_72, %dma_wait3A_73] : memref<2x400x128xf32, #tpu.memory_space<vmem>> -> memref<1x400x64xf32, #tpu.memory_space<vmem>>
      %dma_wait3A_75 = tpu.memref_squeeze %dma_wait3A_74 : memref<1x400x64xf32, #tpu.memory_space<vmem>> -> memref<400x64xf32, #tpu.memory_space<vmem>>
      tpu.wait_dma2 semaphore(%run_scoped3A_51 : memref<!tpu.dma_semaphore, #tpu.memory_space<semaphore_mem>>) src(%dma_wait3A_75 : memref<400x64xf32, #tpu.memory_space<vmem>>) dst(%dma_wait3A_71 : memref<400x64xf32, #tpu.memory_space<hbm>>)
      tpu.yield
    }) : () -> ()
    %dma_wait3A_38 = arith.constant 1 : i32
    %dma_wait3A_39 = arith.constant 0 : i32
    %dma_wait3A_40 = arith.constant 0 : i32
    %dma_wait3A_41 = tpu.memref_slice %arg6[%dma_wait3A_38, %dma_wait3A_39, %dma_wait3A_40] : memref<2x400x128xf32, #tpu.memory_space<vmem>> -> memref<1x400x128xf32, #tpu.memory_space<vmem>>
    %dma_wait3A_42 = tpu.memref_squeeze %dma_wait3A_41 : memref<1x400x128xf32, #tpu.memory_space<vmem>> -> memref<400x128xf32, #tpu.memory_space<vmem>>
    %dma_wait3A_43 = arith.constant 25200 : i32
    %dma_wait3A_44 = tpu.memref_slice %arg5[%dma_wait3A_43] : memref<25600xi32, #tpu.memory_space<vmem>> -> memref<400xi32, #tpu.memory_space<vmem>>
    %dma_wait3A_45 = arith.constant 0 : i32
    %dma_wait3A_46 = arith.constant 0 : i32
    %dma_wait3A_47 = tpu.memref_slice %arg3[%dma_wait3A_45, %dma_wait3A_46] : memref<1000000x128xf32, #tpu.memory_space<hbm>> -> memref<1000000x128xf32, #tpu.memory_space<hbm>>
    tpu.wait_indirect_dma semaphore(%arg8 : memref<!tpu.dma_semaphore, #tpu.memory_space<semaphore_mem>>) src(%dma_wait3A_47 : memref<1000000x128xf32, #tpu.memory_space<hbm>>) dst(%dma_wait3A_42 : memref<400x128xf32, #tpu.memory_space<vmem>>)
    %add3A_48 = arith.constant 25200 : i32
    %add3A_49 = arith.addi %mul3A_2, %add3A_48 : i32
    %run_scoped3A_50 = arith.constant 1 : i32
    "tpu.region"() ({
      %run_scoped3A_51 = tpu.sem_alloc : memref<!tpu.dma_semaphore, #tpu.memory_space<semaphore_mem>>
      %dma_start3A_52 = arith.constant 0 : i32
      %dma_start3A_53 = arith.constant 0 : i32
      %dma_start3A_54 = tpu.memref_slice %arg6[%run_scoped3A_50, %dma_start3A_52, %dma_start3A_53] : memref<2x400x128xf32, #tpu.memory_space<vmem>> -> memref<1x400x64xf32, #tpu.memory_space<vmem>>
      %dma_start3A_55 = tpu.memref_squeeze %dma_start3A_54 : memref<1x400x64xf32, #tpu.memory_space<vmem>> -> memref<400x64xf32, #tpu.memory_space<vmem>>
      %dma_start3A_56 = arith.constant 0 : i32
      %dma_start3A_57 = tpu.memref_slice %arg4[%add3A_49, %dma_start3A_56] : memref<819200x128xf32, #tpu.memory_space<hbm>> -> memref<400x64xf32, #tpu.memory_space<hbm>>
      %dma_start3A_58 = arith.constant 0 : i32
      %dma_start3A_59 = tpu.memref_slice %arg4[%add3A_49, %dma_start3A_58] : memref<819200x128xf32, #tpu.memory_space<hbm>> -> memref<400x64xf32, #tpu.memory_space<hbm>>
      %dma_start3A_60 = arith.constant 0 : i32
      %dma_start3A_61 = arith.constant 0 : i32
      %dma_start3A_62 = tpu.memref_slice %arg6[%run_scoped3A_50, %dma_start3A_60, %dma_start3A_61] : memref<2x400x128xf32, #tpu.memory_space<vmem>> -> memref<1x400x64xf32, #tpu.memory_space<vmem>>
      %dma_start3A_63 = tpu.memref_squeeze %dma_start3A_62 : memref<1x400x64xf32, #tpu.memory_space<vmem>> -> memref<400x64xf32, #tpu.memory_space<vmem>>
      tpu.enqueue_dma source(%dma_start3A_63 : memref<400x64xf32, #tpu.memory_space<vmem>>) target(%dma_start3A_59 : memref<400x64xf32, #tpu.memory_space<hbm>>) target_semaphore(%run_scoped3A_51 : memref<!tpu.dma_semaphore, #tpu.memory_space<semaphore_mem>>)
      %dma_wait3A_64 = arith.constant 0 : i32
      %dma_wait3A_65 = arith.constant 0 : i32
      %dma_wait3A_66 = tpu.memref_slice %arg6[%run_scoped3A_50, %dma_wait3A_64, %dma_wait3A_65] : memref<2x400x128xf32, #tpu.memory_space<vmem>> -> memref<1x400x64xf32, #tpu.memory_space<vmem>>
      %dma_wait3A_67 = tpu.memref_squeeze %dma_wait3A_66 : memref<1x400x64xf32, #tpu.memory_space<vmem>> -> memref<400x64xf32, #tpu.memory_space<vmem>>
      %dma_wait3A_68 = arith.constant 0 : i32
      %dma_wait3A_69 = tpu.memref_slice %arg4[%add3A_49, %dma_wait3A_68] : memref<819200x128xf32, #tpu.memory_space<hbm>> -> memref<400x64xf32, #tpu.memory_space<hbm>>
      %dma_wait3A_70 = arith.constant 0 : i32
      %dma_wait3A_71 = tpu.memref_slice %arg4[%add3A_49, %dma_wait3A_70] : memref<819200x128xf32, #tpu.memory_space<hbm>> -> memref<400x64xf32, #tpu.memory_space<hbm>>
      %dma_wait3A_72 = arith.constant 0 : i32
      %dma_wait3A_73 = arith.constant 0 : i32
      %dma_wait3A_74 = tpu.memref_slice %arg6[%run_scoped3A_50, %dma_wait3A_72, %dma_wait3A_73] : memref<2x400x128xf32, #tpu.memory_space<vmem>> -> memref<1x400x64xf32, #tpu.memory_space<vmem>>
      %dma_wait3A_75 = tpu.memref_squeeze %dma_wait3A_74 : memref<1x400x64xf32, #tpu.memory_space<vmem>> -> memref<400x64xf32, #tpu.memory_space<vmem>>
      tpu.wait_dma2 semaphore(%run_scoped3A_51 : memref<!tpu.dma_semaphore, #tpu.memory_space<semaphore_mem>>) src(%dma_wait3A_75 : memref<400x64xf32, #tpu.memory_space<vmem>>) dst(%dma_wait3A_71 : memref<400x64xf32, #tpu.memory_space<hbm>>)
      tpu.yield
    }) : () -> ()
    return
  }
}

</mosaic_0001>

<sc_bundles>
// kernel: _embed.3.cloned.1.call-start
scs
__scs_entry_jumppad:
0x0: {  	(pc) =	sbr.rel $0x88, $3  }
0x1: {  	(tag) =	ssettag $0x0;
	lr =	simm.s32 $0x1  }
0x2: {  	[smem:$0x3F9F] =	sst lr;
	_ =	strace $0xD0000000  }
0x3: {  	_ = 	snop  }
0x4: {  	_ = 	snop  }
0x5: {  	_ = 	snop  }
0x6: {  	_ = 	snop  }
0x7: {  	_ = 	snop  }
__scs_overlays_trampoline_lowered:
0x8: {  	[smem:$0x3FAE] =	sst s0  }
0x9: {  	[smem:$0x3FAF] =	sst s1  }
0xa: {  	[smem:$0x3FB0] =	sst s2  }
0xb: {  	[smem:$0x3FB1] =	sst s3  }
0xc: {  	[smem:$0x3FB2] =	sst s4  }
0xd: {  	[smem:$0x3FB3] =	sst s5  }
0xe: {  	[smem:$0x3FB4] =	sst s6  }
0xf: {  	[smem:$0x3FB5] =	sst s7  }
0x10: {  	[smem:$0x3FB6] =	sst s8  }
0x11: {  	[smem:$0x3FB7] =	sst s9;
	s0 =	simm.s32 @!p0 $0x0  }
0x12: {  	s1 =	sld [smem:$0x3F9D];
	s0 =	simm.s32 @p0 $0x1  }
0x13: {  	[smem:$0x3FB8] =	sst s0;
	s0 =	simm.s32 @!p1 $0x0  }
0x14: {  	s2 =	sld [smem:$0x3F9C];
	s0 =	simm.s32 @p1 $0x1  }
0x15: {  	[smem:$0x3FB9] =	sst s0;
	s0 =	simm.s32 @!p2 $0x0  }
0x16: {  	s3 =	sld [smem:$0x3FDB];
	s0 =	simm.s32 @p2 $0x1  }
0x17: {  	s4 =	simm.s32 $0x1BF5;
	[smem:$0x3FBB] =	sst s0  }
0x18: {  	s0 =	sld [smem:$0x3F9E];
	_ =	swait.ge [sflag:s4], $0x0  }
0x19: {  	s7 =	sld [smem:$0x3F9F]  }
0x1a: {  	s8 =	sadd.s32 $0xFFFFE003, lr  }
0x1b: {  	s9 =	sadd.s32 $0xFFFFFEF7, lr;
	s5 =	simm.s32 $0xFFFFFFFF;
	p2 =	slt.u32 s8, $0xFFFFF086  }
0x1c: {  	p1 =	slt.u32 s9, $0xF7A;
	s5 =	simm.s32 @!p2 $0x0  }
0x1d: {  	s5 =	simm.s32 @p1 $0x1;
	p0 =	seq.s32 s7, s2  }
0x1e: {  	s7 =	smul.u32 @!p0 $0xF7A, s2;
	p2 =	seq.s32 @!p0 s5, $0x0  }
0x1f: {  	s9 =	smul.u32 $0xF7A, s1;
	s8 =	simm.s32 @!p0 $0x1BF5;
	p2 =	por !p2, p0  }
0x20: {  	[sflag:s8] =	ssyncset.s32 @!p0 $0xFFFFF086;
	s6 =	sadd.s32 @!p0 s3, s7;
	s7 =	simm.s32 @!p0 $0x108  }
0x21: {  	s3 =	sadd.s32 s3, s9;
	s6 =	sadd.s32 @!p0 $0x88, s6;
	s7 =	simm.s32 @p2 $0x1082  }
0x22: {  	[simem:s7], [sflag:s8] =	dma.local @!p0 [hbm:s6], $0xF7A  }
0x23: {  	s9 =	sor.u32 $0xD0000000, s2;
	s6 =	simm.s32 $0x108;
	_ =	swait.ge @!p0 [sflag:s8], $0x0  }
0x24: {  	s3 =	sadd.s32 $0x88, s3;
	s6 =	simm.s32 @!p1 $0x1082;
	[sflag:s4] =	ssyncset.s32 $0xFFFFF086  }
0x25: {  	[simem:s6], [sflag:s4] =	dma.local [hbm:s3], $0xF7A  }
0x26: {  	[smem:$0x3F9F] =	sst s1;
	(tag) =	ssettag s2;
	_ =	strace s9  }
0x27: {  	s1 =	sld [smem:$0x3FAF]  }
0x28: {  	s2 =	sld [smem:$0x3FB0]  }
0x29: {  	s4 =	sld [smem:$0x3FB2]  }
0x2a: {  	p0 =	seq.s32 s5, $0x0;
	s5 =	sld [smem:$0x3FB3]  }
0x2b: {  	s6 =	sld [smem:$0x3FB4]  }
0x2c: {  	s7 =	sld [smem:$0x3FB5]  }
0x2d: {  	s3 =	simm.s32 $0x108;
	s8 =	sld [smem:$0x3FB6]  }
0x2e: {  	s3 =	simm.s32 @!p0 $0x1082;
	s9 =	sld [smem:$0x3FB7]  }
0x2f: {  	lr =	sadd.s32 s0, s3;
	s0 =	sld [smem:$0x3FAE]  }
0x30: {  	s3 =	sld [smem:$0x3FB1]  }
0x31: {  	[smem:$0x3FBA] =	sst s10  }
0x32: {  	s10 =	sld [smem:$0x3FB8];
	_ =	sdelay $0x3  }
0x33: {  	p0 =	seq.s32 s10, $0x1;
	s10 =	sld [smem:$0x3FBA];
	_ =	sdelay $0x3  }
0x34: {  	[smem:$0x3FBA] =	sst s10  }
0x35: {  	s10 =	sld [smem:$0x3FB9];
	_ =	sdelay $0x3  }
0x36: {  	p1 =	seq.s32 s10, $0x1;
	s10 =	sld [smem:$0x3FBA];
	_ =	sdelay $0x3  }
0x37: {  	[smem:$0x3FBA] =	sst s10  }
0x38: {  	s10 =	sld [smem:$0x3FBB]  }
0x39: {  	_ = 	snop;
	(pc) =	sbr.ind lr, $3  }
0x3a: {  	_ = 	snop  }
0x3b: {  	_ = 	snop  }
0x3c: {  	p2 =	seq.s32 s10, $0x1;
	s10 =	sld [smem:$0x3FBA]  }
0x3d: {  	_ =	shalt  }
0x3e: {  	_ =	shalt  }
0x3f: {  	_ =	shalt  }
0x40: {  	_ =	shalt  }
0x41: {  	_ =	shalt  }
0x42: {  	_ =	shalt  }
0x43: {  	_ =	shalt  }
0x44: {  	_ =	shalt  }
0x45: {  	_ =	shalt  }
0x46: {  	_ =	shalt  }
0x47: {  	_ =	shalt  }
0x48: {  	_ =	shalt  }
0x49: {  	_ =	shalt  }
0x4a: {  	_ =	shalt  }
0x4b: {  	_ =	shalt  }
0x4c: {  	_ =	shalt  }
0x4d: {  	_ =	shalt  }
0x4e: {  	_ =	shalt  }
0x4f: {  	_ =	shalt  }
0x50: {  	_ =	shalt  }
0x51: {  	_ =	shalt  }
0x52: {  	_ =	shalt  }
0x53: {  	_ =	shalt  }
0x54: {  	_ =	shalt  }
0x55: {  	_ =	shalt  }
0x56: {  	_ =	shalt  }
0x57: {  	_ =	shalt  }
0x58: {  	_ =	shalt  }
0x59: {  	_ =	shalt  }
0x5a: {  	_ =	shalt  }
0x5b: {  	_ =	shalt  }
0x5c: {  	_ =	shalt  }
0x5d: {  	_ =	shalt  }
0x5e: {  	_ =	shalt  }
0x5f: {  	_ =	shalt  }
0x60: {  	_ =	shalt  }
0x61: {  	_ =	shalt  }
0x62: {  	_ =	shalt  }
0x63: {  	_ =	shalt  }
0x64: {  	_ =	shalt  }
0x65: {  	_ =	shalt  }
0x66: {  	_ =	shalt  }
0x67: {  	_ =	shalt  }
0x68: {  	_ =	shalt  }
0x69: {  	_ =	shalt  }
0x6a: {  	_ =	shalt  }
0x6b: {  	_ =	shalt  }
0x6c: {  	_ =	shalt  }
0x6d: {  	_ =	shalt  }
0x6e: {  	_ =	shalt  }
0x6f: {  	_ =	shalt  }
0x70: {  	_ =	shalt  }
0x71: {  	_ =	shalt  }
0x72: {  	_ =	shalt  }
0x73: {  	_ =	shalt  }
0x74: {  	_ =	shalt  }
0x75: {  	_ =	shalt  }
0x76: {  	_ =	shalt  }
0x77: {  	_ =	shalt  }
0x78: {  	_ =	shalt  }
0x79: {  	_ =	shalt  }
0x7a: {  	_ =	shalt  }
0x7b: {  	_ =	shalt  }
0x7c: {  	_ =	shalt  }
0x7d: {  	_ =	shalt  }
0x7e: {  	_ =	shalt  }
0x7f: {  	_ =	shalt  }
0x80: {  	_ =	shalt  }
0x81: {  	_ =	shalt  }
0x82: {  	_ =	shalt  }
0x83: {  	_ =	shalt  }
0x84: {  	_ =	shalt  }
0x85: {  	_ =	shalt  }
0x86: {  	_ =	shalt  }
0x87: {  	_ =	shalt  }
.Lfunc_end0:
.L_simem_size_0:
called_computation_lowered:
.L_overlay_start_0:
0x88: {  	s2 =	sld [smem:$0x3FD9]  }
0x89: {  	s3 =	sld [smem:$0x3FFE];
	_ =	sdelay $0x1  }
0x8a: {  	s1 =	srdreg.scid  }
0x8b: {  	s0 =	sand.u32 $0x1, s1  }
0x8c: {  	s18 =	sshll.u32 s0, $0xA;
	s2 =	sadd.s32 s3, s2  }
0x8d: {  	s2 =	sadd.s32 s2, s18  }
0x8e: {  	[smem:$0x3FC6] =	sst s2  }
0x8f: {  	_ = 	snop  }
0x90: {  	s2 =	sld [smem:$0x3FC9]  }
0x91: {  	s19 =	sld [smem:$0x3FC8]  }
0x92: {  	s4 =	sld [smem:$0x3FD0];
	(tm) =	ssettm $0x1  }
0x93: {  	s5 =	sld [smem:$0x3FFB];
	_ =	sdelay $0x3  }
0x94: {  	_ =	strace s5  }
0x95: {  	s5 =	sld [smem:$0x3FFC];
	_ =	sdelay $0x3  }
0x96: {  	_ =	strace s5  }
0x97: {  	s5 =	sld [smem:$0x3FFD];
	_ =	sdelay $0x3  }
0x98: {  	_ =	strace s5  }
0x99: {  	_ =	strace $0x8FFFFFFF  }
0x9a: {  	s20 =	sld [smem:$0x3FDB];
	_ =	sdelay $0x1  }
0x9b: {  	s6 =	simm.s32 $_scs_section_size  }
0x9c: {  	s7 =	simm.s32 $_size__tile_overlayer_lowered;
	s8 =	simm.s32 $_tile_overlayer_lowered  }
0x9d: {  	s23 =	simm.s32 $0x1BFF;
	s22 =	sshll.u32 s8, $0x1;
	s5 =	sadd.s32 s6, s20  }
0x9e: {  	s9 =	simm.s32 $0x0;
	s21 =	sshll.u32 s7, $0x1;
	s7 =	sadd.s32 s22, s5  }
0x9f: {  	[timem:s9], [sflag:s23] =	dma.local [hbm:s7], s21  }
0xa0: {  	_ =	swait.ge [sflag:s23], s21  }
0xa1: {  	s6 =	ssub.s32 $0x0, s21;
	[sflag:s23] =	ssyncset.done $0x0  }
0xa2: {  	[sflag:s23] =	ssyncadd.s32 s6;
	_ =	sdelay $0x1  }
0xa3: {  	s24 =	simm.s32 $0x1B8B  }
0xa4: {  	_ =	swait.ge [sflag:s24], $0x1  }
0xa5: {  	[sflag:s24] =	ssyncset.done $0x0  }
0xa6: {  	s25 =	simm.s32 $0x1B8E;
	[sflag:s24] =	ssyncadd.s32 $0xFFFFFFFF  }
0xa7: {  	s26 =	simm.s32 $execute0_lowered;
	[smem:$0x3FD2] =	sst s25  }
0xa8: {  	s6 =	sshll.u32 s26, $0x1;
	_ =	strace $0x80000046;
	[dreg:$0x1] =	wrdreg $0xFFFFFFFF  }
0xa9: {  	s28 =	simm.s32 $_size_execute0_lowered;
	s5 =	sadd.s32 s5, s6;
	[dreg:$0x0] =	wrdreg $0x0  }
0xaa: {  	s6 =	sshll.u32 s28, $0x1;
	[dreg:$0x2] =	wrdreg s5  }
0xab: {  	[dreg:$0x3] =	wrdreg s6  }
0xac: {  	[dreg:$0x4] =	wrdreg $0xC0  }
0xad: {  	_ =	task [dreg:s9], $0x5FFFF  }
0xae: {  	[dreg:$0x1] =	wrdreg $0xFFFFFFFF  }
0xaf: {  	[dreg:$0x0] =	wrdreg $0x60  }
0xb0: {  	[dreg:$0x2] =	wrdreg s2  }
0xb1: {  	[dreg:$0x3] =	wrdreg s19  }
0xb2: {  	[dreg:$0x4] =	wrdreg s4  }
0xb3: {  	[dreg:$0x5] =	wrdreg $0x9  }
0xb4: {  	_ =	task.clear_ibuf [dreg:s9], $0x6FFFF;
	_ =	strace $0x90000046  }
0xb5: {  	s29 =	simm.s32 $0x9;
	_ =	strace $0x80000048  }
0xb6: {  	_ =	swait.ge [sflag:s29], $0x1  }
0xb7: {  	[sflag:s29] =	ssyncadd.s32 $0xFFFFFFFF  }
0xb8: {  	_ =	strace $0x90000048  }
0xb9: {  	_ =	sfence  }
0xba: {  	s30 =	sld [smem:$0x0];
	_ =	sdelay $0x2  }
0xbb: {  	s31 =	sshll.u32 s1, $0xD;
	s1 =	sshrl.u32 s1, $0x2  }
0xbc: {  	s3 =	sand.u32 $0x4000, s31;
	s1 =	sadd.s32 s1, s30  }
0xbd: {  	s0 =	sor.u32 s3, s0;
	s1 =	sshll.u32 s1, $0x11  }
0xbe: {  	s0 =	sor.u32 s1, s0  }
0xbf: {  	s0 =	sadd.s32 $0x8F2B, s0  }
0xc0: {  	[sflag:s0] =	ssyncadd.remote.s32 $0x1  }
0xc1: {  	_ =	sfence.sel $0xFFFF  }
0xc2: {  	[dreg:$0x0] =	wrdreg $0xFFFFFFFF;
	(pc) =	sbr.abs _section_cstart, $3  }
0xc3: {  	[dreg:$0x1] =	wrdreg $0xFFFFFFFF  }
0xc4: {  	_ =	task.clear_ibuf [dreg:s9], $0x2FFFF;
	_ =	strace $0x9FFFFFFF  }
0xc5: {  	(tm) =	ssettm $0x7FFFFFFF  }
tec
execute0_lowered:
.L_overlay_start_1:
0x0: {  	(tag) =	ssettag $0x1  }
0x1: {  	s6 =	rddreg [dreg:$0x0]  }
0x2: {  	s1 =	srdreg.scid;
	s2 =	rddreg [dreg:$0x1]  }
0x3: {  	s0 =	stileid.u32;
	s3 =	rddreg [dreg:$0x2]  }
0x4: {  	s4 =	simm.s32 $0x0;
	s11 =	simm.s32 $0x3;
	s12 =	simm.s32 $0x190  }
0x5: {  	s13 =	simm.s32 $0x6400;
	s5 =	sand.u32 $0x1, s1;
	s28 =	sshll.u32 s0, $0x1  }
0x6: {  	s14 =	simm.s32 $0x12C00;
	s15 =	simm.s32 $0x1;
	s7 =	sor.u32 s5, s28  }
0x7: {  	s16 =	simm.s32 $0x2;
	s17 =	simm.s32 $0x0;
	s8 =	smul.u32 $0x320000, s7  }
0x8: {  	[smem:$0x7FF] =	sst s4;
	s9 =	ssub.s32 $0x2, s5;
	s5 =	smul.u32 $0x6400, s7  }
0x9: {  	s1 =	rddreg [dreg:$0x3];
	_ =	strace $0x80000047;
	s29 =	sshrl.u32 s9, $0x1  }
0xa: {  	s10 =	ssub.s32 s9, s29;
	s8 =	sshrl.u32 s8, $0x3;
	s30 =	sshrl.u32 s5, $0x3  }
0xb: {  	s7 =	sor.u32 $0x190, s5;
	s10 =	smax.u32 s10, $0x1;
	s31 =	sadd.s32 s3, s8  }
0xc: {  	s6 =	sadd.s32 s6, s30;
	s8 =	sadd.s32 $0x60E00, s31;
	s9 =	sadd.s32 $0x62700, s31  }
.LBB2_1:
0xd: {  	[tilespmem:s4], [sflag:$0x3] =	stream.linear.gather [hbm4b:s6+s4], $0x6400, $0x38;
	[tilespmem:$0x1F400] =	vst v63  }
0xe: {  	_ =	swait.ge [sflag:s11], $0x6400  }
0xf: {  	[sflag:s11] =	ssyncset.done $0x0  }
0x10: {  	[sflag:s11] =	ssyncadd.s32 $0xFFFF9C00  }
0x11: {  	[tilespmem:s13], [sflag:$0x1] =	stream.indirect.gather [hbm4b:s2+s12], $0x80, s4, s12, $0xb8;
	[tilespmem:$0x1F400] =	vst v63  }
0x12: {  	s18 =	simm.s32 $0x0  }
0x13: {  	[tilespmem:s14], [sflag:$0x2] =	stream.indirect.gather [hbm4b:s2+s12], $0x80, s12, s12, $0xb8;
	[tilespmem:$0x1F400] =	vst v63  }
.LBB2_2:
0x14: {  	s19 =	smul.u32 $0x320, s18;
	_ =	sdelay $0x1  }
0x15: {  	s20 =	sadd.s32 s5, s19  }
0x16: {  	_ =	swait.ge [sflag:s15], $0xC800;
	s21 =	simm.s32 $0x6400;
	s20 =	sshll.u32 s20, $0x4  }
0x17: {  	s22 =	simm.s32 $0x10;
	[sflag:s15] =	ssyncset.done $0x0;
	s20 =	sadd.s32 s3, s20  }
0x18: {  	s23 =	simm.s32 $0x6480;
	[sflag:s15] =	ssyncadd.s32 $0xFFFF3800;
	s24 =	sadd.s32 $0x0, s20  }
.LBB2_3:
0x19: {  	[hbm4b:s24+s4] =	stream.linear.scatter [tilespmem:s21], [sflag:$0x3], $0x40, $0x38;
	[tilespmem:$0x1F400] =	vst v63  }
0x1a: {  	s24 =	smov.u32 s22;
	s21 =	smov.u32 s23;
	p0 =	sne.s32 s22, $0x18F0  }
.Ltmp0:
0x1b: {  	s22 =	sadd.s32 $0x10, s22;
	(pc) =	sbr.rel @p0 .LBB2_3-.Ltmp0, $2  }
0x1c: {  	_ =	sdelay $0x2  }
0x1d: {  	s23 =	sadd.s32 $0x80, s23;
	s24 =	sadd.s32 s24, s20  }
0x1e: {  	[hbm4b:s24+s4] =	stream.linear.scatter [tilespmem:s21], [sflag:$0x3], $0x40, $0x38;
	[tilespmem:$0x1F400] =	vst v63  }
0x1f: {  	s20 =	smul.u32 $0xC80, s18  }
0x20: {  	_ =	swait.ge [sflag:s11], $0x6400  }
0x21: {  	s19 =	sadd.s32 s19, s7;
	[sflag:s11] =	ssyncset.done $0x0;
	s20 =	sshra.s32 s20, $0x2  }
0x22: {  	s19 =	sshll.u32 s19, $0x4;
	[sflag:s11] =	ssyncadd.s32 $0xFFFF9C00;
	s31 =	sadd.s32 $0x320, s20  }
0x23: {  	[tilespmem:s13], [sflag:$0x1] =	stream.indirect.gather [hbm4b:s2+s12], $0x80, s31, s12, $0xb8;
	[tilespmem:$0x1F400] =	vst v63  }
0x24: {  	s21 =	simm.s32 $0x12C00;
	s19 =	sand.u32 $0x1FFFFF00, s19;
	_ =	swait.ge [sflag:s16], $0xC800  }
0x25: {  	s22 =	simm.s32 $0x10;
	s19 =	sadd.s32 s3, s19;
	[sflag:s16] =	ssyncset.done $0x0  }
0x26: {  	s23 =	simm.s32 $0x12C80;
	s24 =	sadd.s32 $0x0, s19;
	[sflag:s16] =	ssyncadd.s32 $0xFFFF3800  }
.LBB2_5:
0x27: {  	[hbm4b:s24+s4] =	stream.linear.scatter [tilespmem:s21], [sflag:$0x3], $0x40, $0x38;
	[tilespmem:$0x1F400] =	vst v63  }
0x28: {  	s24 =	smov.u32 s22;
	s21 =	smov.u32 s23;
	p0 =	sne.s32 s22, $0x18F0  }
.Ltmp1:
0x29: {  	s22 =	sadd.s32 $0x10, s22;
	(pc) =	sbr.rel @p0 .LBB2_5-.Ltmp1, $2  }
0x2a: {  	_ =	sdelay $0x2  }
0x2b: {  	s23 =	sadd.s32 $0x80, s23;
	s24 =	sadd.s32 s24, s19  }
0x2c: {  	[hbm4b:s24+s4] =	stream.linear.scatter [tilespmem:s21], [sflag:$0x3], $0x40, $0x38;
	[tilespmem:$0x1F400] =	vst v63  }
0x2d: {  	s18 =	sadd.s32 $0x1, s18  }
0x2e: {  	p0 =	sne.s32 s18, $0x1F  }
.Ltmp2:
0x2f: {  	_ = 	snop;
	(pc) =	sbr.rel @p0 .LBB2_2-.Ltmp2, $4  }
0x30: {  	_ =	swait.ge [sflag:s11], $0x6400  }
0x31: {  	[sflag:s11] =	ssyncset.done $0x0  }
0x32: {  	s19 =	sadd.s32 $0x4B0, s20;
	[sflag:s11] =	ssyncadd.s32 $0xFFFF9C00  }
0x33: {  	[tilespmem:s14], [sflag:$0x2] =	stream.indirect.gather [hbm4b:s2+s12], $0x80, s19, s12, $0xb8;
	[tilespmem:$0x1F400] =	vst v63  }
0x34: {  	_ =	swait.ge [sflag:s15], $0xC800  }
0x35: {  	s18 =	simm.s32 $0x6400;
	s19 =	simm.s32 $0x10;
	[sflag:s15] =	ssyncset.done $0x0  }
0x36: {  	s21 =	sadd.s32 $0x0, s8;
	s20 =	simm.s32 $0x6480;
	[sflag:s15] =	ssyncadd.s32 $0xFFFF3800  }
.LBB2_8:
0x37: {  	[hbm4b:s21+s4] =	stream.linear.scatter [tilespmem:s18], [sflag:$0x3], $0x40, $0x38;
	[tilespmem:$0x1F400] =	vst v63  }
0x38: {  	s21 =	smov.u32 s19;
	s18 =	smov.u32 s20;
	p0 =	sne.s32 s19, $0x18F0  }
.Ltmp3:
0x39: {  	s19 =	sadd.s32 $0x10, s19;
	(pc) =	sbr.rel @p0 .LBB2_8-.Ltmp3, $2  }
0x3a: {  	_ =	sdelay $0x2  }
0x3b: {  	s20 =	sadd.s32 $0x80, s20;
	s21 =	sadd.s32 s21, s8  }
0x3c: {  	[hbm4b:s21+s4] =	stream.linear.scatter [tilespmem:s18], [sflag:$0x3], $0x40, $0x38;
	[tilespmem:$0x1F400] =	vst v63  }
0x3d: {  	_ =	swait.ge [sflag:s11], $0x6400  }
0x3e: {  	[sflag:s11] =	ssyncset.done $0x0  }
0x3f: {  	[sflag:s11] =	ssyncadd.s32 $0xFFFF9C00  }
0x40: {  	_ =	swait.ge [sflag:s16], $0xC800  }
0x41: {  	s18 =	simm.s32 $0x12C00;
	s19 =	simm.s32 $0x10;
	[sflag:s16] =	ssyncset.done $0x0  }
0x42: {  	s21 =	sadd.s32 $0x0, s9;
	s20 =	simm.s32 $0x12C80;
	[sflag:s16] =	ssyncadd.s32 $0xFFFF3800  }
.LBB2_10:
0x43: {  	[hbm4b:s21+s4] =	stream.linear.scatter [tilespmem:s18], [sflag:$0x3], $0x40, $0x38;
	[tilespmem:$0x1F400] =	vst v63  }
0x44: {  	s21 =	smov.u32 s19;
	s18 =	smov.u32 s20;
	p0 =	sne.s32 s19, $0x18F0  }
.Ltmp4:
0x45: {  	s19 =	sadd.s32 $0x10, s19;
	(pc) =	sbr.rel @p0 .LBB2_10-.Ltmp4, $2  }
0x46: {  	_ =	sdelay $0x2  }
0x47: {  	s20 =	sadd.s32 $0x80, s20;
	s21 =	sadd.s32 s21, s9  }
0x48: {  	s17 =	sadd.s32 $0x1, s17  }
0x49: {  	p0 =	sne.s32 s17, s10  }
.Ltmp5:
0x4a: {  	_ = 	snop;
	(pc) =	sbr.rel @p0 .LBB2_1-.Ltmp5, $4  }
0x4b: {  	[hbm4b:s21+s4] =	stream.linear.scatter [tilespmem:s18], [sflag:$0x3], $0x40, $0x38;
	[tilespmem:$0x1F400] =	vst v63  }
0x4c: {  	_ =	swait.ge [sflag:s11], $0x6400  }
0x4d: {  	[sflag:s11] =	ssyncset.done $0x0  }
0x4e: {  	[sflag:s11] =	ssyncadd.s32 $0xFFFF9C00  }
0x4f: {  	_ =	sfence.sel $0x180000  }
0x50: {  	[bflag:$0x0] =	sbarrier.arrive $0xFFFF  }
0x51: {  	p0 =	sne.s32 s0, $0x0;
	_ =	strace $0x90000047  }
0x52: {  	s0 =	sadd.s32 @!p0 $0x100000, s1;
	[bflag:$0x2] =	sbarrier.arrive $0xFFFF  }
0x53: {  	[sflag:s0] =	ssyncadd.tile.s32 @!p0 $0x1;
	_ =	shalt  }
.Lfunc_end2:
_tile_overlayer_lowered:
.L_overlay_start_2:
0x54: {  	(tag) =	ssettag $0x2  }
0x55: {  	s0 =	rddreg [dreg:$0x0];
	s2 =	stileid.u32  }
0x56: {  	s1 =	rddreg [dreg:$0x1];
	p0 =	sne.s32 s2, $0x0  }
0x57: {  	s3 =	rddreg [dreg:$0x2];
	[bflag:$0x3] =	sbarrier.arrive $0xFFFF;
	s2 =	simm.s32 @!p0 $0x1C03  }
0x58: {  	[timem:s3], [sflag:s2] =	dma.local @!p0 [hbm:s0], s1  }
0x59: {  	s0 =	simm.s32 @!p0 $0x3  }
0x5a: {  	_ =	swait.ge @!p0 [sflag:s0], s1  }
0x5b: {  	s1 =	ssub.s32 @!p0 $0x0, s1;
	[sflag:s0] =	ssyncset.done @!p0 $0x0  }
0x5c: {  	[sflag:s0] =	ssyncadd.s32 @!p0 s1  }
0x5d: {  	[bflag:$0x3] =	sbarrier.arrive $0xFFFF  }
0x5e: {  	_ =	shalt  }

</sc_bundles>
